<compile_context>
chip_gen: v7x
topology: tpu7x:2x2x1
jax: 0.10.2.dev20260603
libtpu: 0.0.44.dev20260713+nightly
codegen_flags: <defaults>
</compile_context>

<pallas_src>
import functools
import math

import jax
import jax.numpy as jnp
from jax import lax
from jax.experimental import pallas as pl
from jax.experimental.pallas import tpu as pltpu
from jax.experimental.pallas import tpu_sc as plsc

_SIZE = 32000
_PAD = 0
_SMOOTH = 0.1
_CONF = 1.0 - _SMOOTH
_EPS = _SMOOTH / (_SIZE - 2)
_ROW_ENT = (_SIZE - 2) * _EPS * math.log(_EPS) + _CONF * math.log(_CONF)

_ROWS = 4096
_RB = 128
_CB = _SIZE // 2

_NC = 2
_NS = 16
_L = 16
_NW = _NC * _NS
_RPW = _ROWS // _NW


def _tc_body(x_ref, tgt_ref, s_ref):
    i = pl.program_id(0)
    j = pl.program_id(1)

    @pl.when((i == 0) & (j == 0))
    def _init():
        s_ref[0, 0] = 0.0

    xb = x_ref[...]
    tgt = tgt_ref[...]
    nonpad = tgt != _PAD
    gcol = lax.broadcasted_iota(jnp.int32, xb.shape, 1) + j * _CB
    w = jnp.where(nonpad & (gcol != 0), _EPS, 0.0)
    w = jnp.where(nonpad & (gcol == tgt), _CONF, w)
    s_ref[0, 0] += jnp.sum(w * xb)


@functools.partial(
    pl.kernel,
    mesh=plsc.VectorSubcoreMesh(core_axis_name="c", subcore_axis_name="s"),
    out_type=jax.ShapeDtypeStruct((_NW, _L), jnp.float32),
    scratch_types=[
        pltpu.VMEM((_RPW,), jnp.int32),
        pltpu.VMEM((_L,), jnp.float32),
    ],
)
def _sc_count(tgt_hbm, out_hbm, tgt_v, n_stage):
    wid = lax.axis_index("s") * _NC + lax.axis_index("c")
    base = wid * _RPW
    pltpu.sync_copy(tgt_hbm.at[pl.ds(base, _RPW)], tgt_v)
    n_acc = jnp.zeros((_L,), jnp.float32)
    for grp in range(_RPW // _L):
        t16 = tgt_v[pl.ds(grp * _L, _L)]
        n_acc = n_acc + jnp.where(t16 != _PAD, 1.0, 0.0)
    n_stage[...] = n_acc
    pltpu.sync_copy(n_stage, out_hbm.at[wid])


def kernel(x, target):
    tgt_i32 = target.astype(jnp.int32)
    n_parts = _sc_count(tgt_i32)
    s, = pl.pallas_call(
        _tc_body,
        grid=(_ROWS // _RB, _SIZE // _CB),
        in_specs=[
            pl.BlockSpec((_RB, _CB), lambda i, j: (i, j)),
            pl.BlockSpec((_RB, 1), lambda i, j: (i, 0)),
        ],
        out_specs=[
            pl.BlockSpec(memory_space=pltpu.MemorySpace.SMEM),
        ],
        out_shape=[
            jax.ShapeDtypeStruct((1, 1), jnp.float32),
        ],
    )(x, tgt_i32.reshape(_ROWS, 1))
    n = jnp.sum(n_parts)
    return _ROW_ENT * n - s[0, 0]

# --- scband reference (transcript-rebuilt; emitter-appended) ---
"""Pipeline reference for scband-label-smoothing-1889785610509 (READ-ONLY COPY).

The authoritative reference and input builder live on the scoring server;
editing this copy changes nothing except your own understanding.
"""

import jax, jax.numpy as jnp
import numpy as np
from jax.scipy.special import xlogy

SIZE = 32000
PADDING_IDX = 0
SMOOTHING = 0.1
CONFIDENCE = 1.0 - SMOOTHING


def setup_inputs(seed: int = 0) -> dict:
    key = jax.random.key(seed)
    k1, k2 = jax.random.split(key)
    x = jax.random.normal(k1, (4096, SIZE), dtype=jnp.float32)
    target = jax.random.randint(k2, (4096,), 0, SIZE, dtype=jnp.int64 if jax.config.jax_enable_x64 else jnp.int32)
    return {"x": x, "target": target}


def reference(x, target):
    n = x.shape[0]
    # true_dist filled with smoothing / (size - 2)
    true_dist = jnp.full(x.shape, SMOOTHING / (SIZE - 2), dtype=x.dtype)
    # scatter confidence at the target index of each row
    true_dist = true_dist.at[jnp.arange(n), target].set(CONFIDENCE)
    # zero out padding column
    true_dist = true_dist.at[:, PADDING_IDX].set(0.0)
    # zero out rows whose target is the padding index (index_fill_)
    pad_rows = (target == PADDING_IDX)
    true_dist = jnp.where(pad_rows[:, None], 0.0, true_dist)
    # KLDivLoss(reduction='sum'): sum(t * (log t - x)) with 0*log0 = 0
    loss = jnp.sum(xlogy(true_dist, true_dist) - true_dist * x)
    return loss

if __name__ == "__main__":
    import jax
    _d = setup_inputs()
    print(jax.jit(kernel)(*tuple(_d.values())))

</pallas_src>

<mosaic_0001>
#map = affine_map<(d0, d1) -> (0)>
#map1 = affine_map<(d0, d1) -> (0, 0)>
module attributes {stable_mosaic.version = 14 : i64} {
  func.func @_sc_count(%arg0: i32, %arg1: i32, %arg2: memref<4096xi32, #tpu.memory_space<hbm>>, %arg3: memref<32x16xf32, #tpu.memory_space<hbm>>, %arg4: memref<128xi32, #tpu.memory_space<vmem>>, %arg5: memref<16xf32, #tpu.memory_space<vmem>>) attributes {dimension_semantics = [#tpu.dimension_semantics<core_parallel>, #tpu.dimension_semantics<subcore_parallel>], iteration_bounds = array<i64: 2, 16>, scalar_prefetch = 0 : i64, scratch_operands = 2 : i64, tpu.core_type = #tpu.core_type<sc_vector_subcore>, window_params = [{transform_indices = #map}, {transform_indices = #map1}]} {
    %mul3A = arith.constant 2 : i32
    %mul3A_0 = arith.muli %arg1, %mul3A : i32
    %add3A = arith.addi %mul3A_0, %arg0 : i32
    %mul3A_1 = arith.constant 128 : i32
    %mul3A_2 = arith.muli %add3A, %mul3A_1 : i32
    "tpu.region"() ({
      %run_scoped3A = tpu.sem_alloc : memref<!tpu.dma_semaphore, #tpu.memory_space<semaphore_mem>>
      %dma_start3A = tpu.memref_slice %arg2[%mul3A_2] : memref<4096xi32, #tpu.memory_space<hbm>> -> memref<128xi32, #tpu.memory_space<hbm>>
      %dma_start3A_99 = tpu.memref_slice %arg2[%mul3A_2] : memref<4096xi32, #tpu.memory_space<hbm>> -> memref<128xi32, #tpu.memory_space<hbm>>
      tpu.enqueue_dma source(%dma_start3A_99 : memref<128xi32, #tpu.memory_space<hbm>>) target(%arg4 : memref<128xi32, #tpu.memory_space<vmem>>) target_semaphore(%run_scoped3A : memref<!tpu.dma_semaphore, #tpu.memory_space<semaphore_mem>>)
      %dma_wait3A = tpu.memref_slice %arg2[%mul3A_2] : memref<4096xi32, #tpu.memory_space<hbm>> -> memref<128xi32, #tpu.memory_space<hbm>>
      %dma_wait3A_100 = tpu.memref_slice %arg2[%mul3A_2] : memref<4096xi32, #tpu.memory_space<hbm>> -> memref<128xi32, #tpu.memory_space<hbm>>
      tpu.wait_dma2 semaphore(%run_scoped3A : memref<!tpu.dma_semaphore, #tpu.memory_space<semaphore_mem>>) src(%dma_wait3A_100 : memref<128xi32, #tpu.memory_space<hbm>>) dst(%arg4 : memref<128xi32, #tpu.memory_space<vmem>>)
      tpu.yield
    }) : () -> ()
    %broadcast_in_dim3A = arith.constant 0.000000e+00 : f32
    %broadcast_in_dim3A_3 = vector.broadcast %broadcast_in_dim3A : f32 to vector<16xf32>
    %get3A = arith.constant 0 : index
    %get3A_4 = tpu.vector_load %arg4[%get3A] {strides = array<i32>} : memref<128xi32, #tpu.memory_space<vmem>>, vector<16xi32>,
    %get3A_5 = vector.shape_cast %get3A_4 : vector<16xi32> to vector<16xi32>
    %ne3A = arith.constant 0 : i32
    %ne3A_6 = vector.broadcast %ne3A : i32 to vector<16xi32>
    %ne3A_7 = arith.cmpi ne, %get3A_5, %ne3A_6 : vector<16xi32>
    %jit3A = arith.constant 1.000000e+00 : f32
    %jit3A_8 = arith.constant 0.000000e+00 : f32
    %broadcast_in_dim3A_9 = vector.broadcast %jit3A : f32 to vector<16xf32>
    %broadcast_in_dim3A_10 = vector.broadcast %jit3A_8 : f32 to vector<16xf32>
    %select_n3A = arith.select %ne3A_7, %broadcast_in_dim3A_9, %broadcast_in_dim3A_10 : vector<16xi1>, vector<16xf32>
    %add3A_11 = arith.addf %broadcast_in_dim3A_3, %select_n3A : vector<16xf32>
    %get3A_12 = arith.constant 16 : index
    %get3A_13 = tpu.vector_load %arg4[%get3A_12] {strides = array<i32>} : memref<128xi32, #tpu.memory_space<vmem>>, vector<16xi32>,
    %get3A_14 = vector.shape_cast %get3A_13 : vector<16xi32> to vector<16xi32>
    %ne3A_15 = arith.constant 0 : i32
    %ne3A_16 = vector.broadcast %ne3A_15 : i32 to vector<16xi32>
    %ne3A_17 = arith.cmpi ne, %get3A_14, %ne3A_16 : vector<16xi32>
    %jit3A_18 = arith.constant 1.000000e+00 : f32
    %jit3A_19 = arith.constant 0.000000e+00 : f32
    %broadcast_in_dim3A_20 = vector.broadcast %jit3A_18 : f32 to vector<16xf32>
    %broadcast_in_dim3A_21 = vector.broadcast %jit3A_19 : f32 to vector<16xf32>
    %select_n3A_22 = arith.select %ne3A_17, %broadcast_in_dim3A_20, %broadcast_in_dim3A_21 : vector<16xi1>, vector<16xf32>
    %add3A_23 = arith.addf %add3A_11, %select_n3A_22 : vector<16xf32>
    %get3A_24 = arith.constant 32 : index
    %get3A_25 = tpu.vector_load %arg4[%get3A_24] {strides = array<i32>} : memref<128xi32, #tpu.memory_space<vmem>>, vector<16xi32>,
    %get3A_26 = vector.shape_cast %get3A_25 : vector<16xi32> to vector<16xi32>
    %ne3A_27 = arith.constant 0 : i32
    %ne3A_28 = vector.broadcast %ne3A_27 : i32 to vector<16xi32>
    %ne3A_29 = arith.cmpi ne, %get3A_26, %ne3A_28 : vector<16xi32>
    %jit3A_30 = arith.constant 1.000000e+00 : f32
    %jit3A_31 = arith.constant 0.000000e+00 : f32
    %broadcast_in_dim3A_32 = vector.broadcast %jit3A_30 : f32 to vector<16xf32>
    %broadcast_in_dim3A_33 = vector.broadcast %jit3A_31 : f32 to vector<16xf32>
    %select_n3A_34 = arith.select %ne3A_29, %broadcast_in_dim3A_32, %broadcast_in_dim3A_33 : vector<16xi1>, vector<16xf32>
    %add3A_35 = arith.addf %add3A_23, %select_n3A_34 : vector<16xf32>
    %get3A_36 = arith.constant 48 : index
    %get3A_37 = tpu.vector_load %arg4[%get3A_36] {strides = array<i32>} : memref<128xi32, #tpu.memory_space<vmem>>, vector<16xi32>,
    %get3A_38 = vector.shape_cast %get3A_37 : vector<16xi32> to vector<16xi32>
    %ne3A_39 = arith.constant 0 : i32
    %ne3A_40 = vector.broadcast %ne3A_39 : i32 to vector<16xi32>
    %ne3A_41 = arith.cmpi ne, %get3A_38, %ne3A_40 : vector<16xi32>
    %jit3A_42 = arith.constant 1.000000e+00 : f32
    %jit3A_43 = arith.constant 0.000000e+00 : f32
    %broadcast_in_dim3A_44 = vector.broadcast %jit3A_42 : f32 to vector<16xf32>
    %broadcast_in_dim3A_45 = vector.broadcast %jit3A_43 : f32 to vector<16xf32>
    %select_n3A_46 = arith.select %ne3A_41, %broadcast_in_dim3A_44, %broadcast_in_dim3A_45 : vector<16xi1>, vector<16xf32>
    %add3A_47 = arith.addf %add3A_35, %select_n3A_46 : vector<16xf32>
    %get3A_48 = arith.constant 64 : index
    %get3A_49 = tpu.vector_load %arg4[%get3A_48] {strides = array<i32>} : memref<128xi32, #tpu.memory_space<vmem>>, vector<16xi32>,
    %get3A_50 = vector.shape_cast %get3A_49 : vector<16xi32> to vector<16xi32>
    %ne3A_51 = arith.constant 0 : i32
    %ne3A_52 = vector.broadcast %ne3A_51 : i32 to vector<16xi32>
    %ne3A_53 = arith.cmpi ne, %get3A_50, %ne3A_52 : vector<16xi32>
    %jit3A_54 = arith.constant 1.000000e+00 : f32
    %jit3A_55 = arith.constant 0.000000e+00 : f32
    %broadcast_in_dim3A_56 = vector.broadcast %jit3A_54 : f32 to vector<16xf32>
    %broadcast_in_dim3A_57 = vector.broadcast %jit3A_55 : f32 to vector<16xf32>
    %select_n3A_58 = arith.select %ne3A_53, %broadcast_in_dim3A_56, %broadcast_in_dim3A_57 : vector<16xi1>, vector<16xf32>
    %add3A_59 = arith.addf %add3A_47, %select_n3A_58 : vector<16xf32>
    %get3A_60 = arith.constant 80 : index
    %get3A_61 = tpu.vector_load %arg4[%get3A_60] {strides = array<i32>} : memref<128xi32, #tpu.memory_space<vmem>>, vector<16xi32>,
    %get3A_62 = vector.shape_cast %get3A_61 : vector<16xi32> to vector<16xi32>
    %ne3A_63 = arith.constant 0 : i32
    %ne3A_64 = vector.broadcast %ne3A_63 : i32 to vector<16xi32>
    %ne3A_65 = arith.cmpi ne, %get3A_62, %ne3A_64 : vector<16xi32>
    %jit3A_66 = arith.constant 1.000000e+00 : f32
    %jit3A_67 = arith.constant 0.000000e+00 : f32
    %broadcast_in_dim3A_68 = vector.broadcast %jit3A_66 : f32 to vector<16xf32>
    %broadcast_in_dim3A_69 = vector.broadcast %jit3A_67 : f32 to vector<16xf32>
    %select_n3A_70 = arith.select %ne3A_65, %broadcast_in_dim3A_68, %broadcast_in_dim3A_69 : vector<16xi1>, vector<16xf32>
    %add3A_71 = arith.addf %add3A_59, %select_n3A_70 : vector<16xf32>
    %get3A_72 = arith.constant 96 : index
    %get3A_73 = tpu.vector_load %arg4[%get3A_72] {strides = array<i32>} : memref<128xi32, #tpu.memory_space<vmem>>, vector<16xi32>,
    %get3A_74 = vector.shape_cast %get3A_73 : vector<16xi32> to vector<16xi32>
    %ne3A_75 = arith.constant 0 : i32
    %ne3A_76 = vector.broadcast %ne3A_75 : i32 to vector<16xi32>
    %ne3A_77 = arith.cmpi ne, %get3A_74, %ne3A_76 : vector<16xi32>
    %jit3A_78 = arith.constant 1.000000e+00 : f32
    %jit3A_79 = arith.constant 0.000000e+00 : f32
    %broadcast_in_dim3A_80 = vector.broadcast %jit3A_78 : f32 to vector<16xf32>
    %broadcast_in_dim3A_81 = vector.broadcast %jit3A_79 : f32 to vector<16xf32>
    %select_n3A_82 = arith.select %ne3A_77, %broadcast_in_dim3A_80, %broadcast_in_dim3A_81 : vector<16xi1>, vector<16xf32>
    %add3A_83 = arith.addf %add3A_71, %select_n3A_82 : vector<16xf32>
    %get3A_84 = arith.constant 112 : index
    %get3A_85 = tpu.vector_load %arg4[%get3A_84] {strides = array<i32>} : memref<128xi32, #tpu.memory_space<vmem>>, vector<16xi32>,
    %get3A_86 = vector.shape_cast %get3A_85 : vector<16xi32> to vector<16xi32>
    %ne3A_87 = arith.constant 0 : i32
    %ne3A_88 = vector.broadcast %ne3A_87 : i32 to vector<16xi32>
    %ne3A_89 = arith.cmpi ne, %get3A_86, %ne3A_88 : vector<16xi32>
    %jit3A_90 = arith.constant 1.000000e+00 : f32
    %jit3A_91 = arith.constant 0.000000e+00 : f32
    %broadcast_in_dim3A_92 = vector.broadcast %jit3A_90 : f32 to vector<16xf32>
    %broadcast_in_dim3A_93 = vector.broadcast %jit3A_91 : f32 to vector<16xf32>
    %select_n3A_94 = arith.select %ne3A_89, %broadcast_in_dim3A_92, %broadcast_in_dim3A_93 : vector<16xi1>, vector<16xf32>
    %add3A_95 = arith.addf %add3A_83, %select_n3A_94 : vector<16xf32>
    %swap3A = arith.constant 0 : index
    %swap3A_96 = tpu.vector_load %arg5[%swap3A] {strides = array<i32>} : memref<16xf32, #tpu.memory_space<vmem>>, vector<16xf32>,
    %swap3A_97 = vector.shape_cast %swap3A_96 : vector<16xf32> to vector<16xf32>
    %swap3A_98 = vector.shape_cast %add3A_95 : vector<16xf32> to vector<16xf32>
    tpu.vector_store %arg5[%swap3A], %swap3A_98 {strides = array<i32>} : memref<16xf32, #tpu.memory_space<vmem>>, vector<16xf32>,
    "tpu.region"() ({
      %run_scoped3A = tpu.sem_alloc : memref<!tpu.dma_semaphore, #tpu.memory_space<semaphore_mem>>
      %dma_start3A = arith.constant 0 : i32
      %dma_start3A_99 = tpu.memref_slice %arg3[%add3A, %dma_start3A] : memref<32x16xf32, #tpu.memory_space<hbm>> -> memref<1x16xf32, #tpu.memory_space<hbm>>
      %dma_start3A_100 = tpu.memref_squeeze %dma_start3A_99 : memref<1x16xf32, #tpu.memory_space<hbm>> -> memref<16xf32, #tpu.memory_space<hbm>>
      %dma_start3A_101 = arith.constant 0 : i32
      %dma_start3A_102 = tpu.memref_slice %arg3[%add3A, %dma_start3A_101] : memref<32x16xf32, #tpu.memory_space<hbm>> -> memref<1x16xf32, #tpu.memory_space<hbm>>
      %dma_start3A_103 = tpu.memref_squeeze %dma_start3A_102 : memref<1x16xf32, #tpu.memory_space<hbm>> -> memref<16xf32, #tpu.memory_space<hbm>>
      tpu.enqueue_dma source(%arg5 : memref<16xf32, #tpu.memory_space<vmem>>) target(%dma_start3A_103 : memref<16xf32, #tpu.memory_space<hbm>>) target_semaphore(%run_scoped3A : memref<!tpu.dma_semaphore, #tpu.memory_space<semaphore_mem>>)
      %dma_wait3A = arith.constant 0 : i32
      %dma_wait3A_104 = tpu.memref_slice %arg3[%add3A, %dma_wait3A] : memref<32x16xf32, #tpu.memory_space<hbm>> -> memref<1x16xf32, #tpu.memory_space<hbm>>
      %dma_wait3A_105 = tpu.memref_squeeze %dma_wait3A_104 : memref<1x16xf32, #tpu.memory_space<hbm>> -> memref<16xf32, #tpu.memory_space<hbm>>
      %dma_wait3A_106 = arith.constant 0 : i32
      %dma_wait3A_107 = tpu.memref_slice %arg3[%add3A, %dma_wait3A_106] : memref<32x16xf32, #tpu.memory_space<hbm>> -> memref<1x16xf32, #tpu.memory_space<hbm>>
      %dma_wait3A_108 = tpu.memref_squeeze %dma_wait3A_107 : memref<1x16xf32, #tpu.memory_space<hbm>> -> memref<16xf32, #tpu.memory_space<hbm>>
      tpu.wait_dma2 semaphore(%run_scoped3A : memref<!tpu.dma_semaphore, #tpu.memory_space<semaphore_mem>>) src(%arg5 : memref<16xf32, #tpu.memory_space<vmem>>) dst(%dma_wait3A_108 : memref<16xf32, #tpu.memory_space<hbm>>)
      tpu.yield
    }) : () -> ()
    return
  }
}

module attributes {stable_mosaic.version = 14 : i64} {
  func.func @_tc_body(%arg0: i32, %arg1: i32, %arg2: memref<128x16000xf32, #tpu.memory_space<vmem>>, %arg3: memref<128x1xi32, #tpu.memory_space<vmem>>, %arg4: memref<1x1xf32, #tpu.memory_space<smem>>) attributes {dimension_semantics = [#tpu.dimension_semantics<arbitrary>, #tpu.dimension_semantics<arbitrary>], iteration_bounds = array<i64: 32, 2>, scalar_prefetch = 0 : i64, scratch_operands = 0 : i64, tpu.core_type = #tpu.core_type<tc>, window_params = [{transform_indices = @transform_0, window_bounds = array<i64: 128, 16000>}, {transform_indices = @transform_1, window_bounds = array<i64: 128, 1>}, {transform_indices = @transform_2, window_bounds = array<i64: 1, 1>}]} {
    %eq3A = arith.constant 0 : i32
    %eq3A_0 = arith.cmpi eq, %arg0, %eq3A : i32
    %eq3A_1 = arith.constant 0 : i32
    %eq3A_2 = arith.cmpi eq, %arg1, %eq3A_1 : i32
    %and3A = arith.andi %eq3A_0, %eq3A_2 : i1
    %convert_element_type3A = arith.extui %and3A : i1 to i32
    %cond3A = arith.constant 0 : i32
    %cond3A_3 = arith.cmpi ne, %convert_element_type3A, %cond3A : i32
    scf.if %cond3A_3 {
      %swap3A_38 = arith.constant 0.000000e+00 : f32
      %swap3A_39 = arith.constant 0 : index
      %swap3A_40 = arith.constant 0 : index
      %swap3A_41 = memref.load %arg4[%swap3A_39, %swap3A_40] : memref<1x1xf32, #tpu.memory_space<smem>>
      memref.store %swap3A_38, %arg4[%swap3A_39, %swap3A_40] : memref<1x1xf32, #tpu.memory_space<smem>>
    } else {
    }
    %get3A = arith.constant 0 : index
    %get3A_4 = arith.constant 0 : index
    %get3A_5 = vector.load %arg2[%get3A, %get3A_4] : memref<128x16000xf32, #tpu.memory_space<vmem>>, vector<128x16000xf32>
    %get3A_6 = arith.constant 0 : index
    %get3A_7 = arith.constant 0 : index
    %get3A_8 = vector.load %arg3[%get3A_6, %get3A_7] : memref<128x1xi32, #tpu.memory_space<vmem>>, vector<128x1xi32>
    %ne3A = arith.constant 0 : i32
    %ne3A_9 = vector.broadcast %ne3A : i32 to vector<128x1xi32>
    %ne3A_10 = arith.cmpi ne, %get3A_8, %ne3A_9 : vector<128x1xi32>
    %iota3A = tpu.iota {dimensions = array<i32: 1>} : vector<128x16000xi32>
    %mul3A = arith.constant 16000 : i32
    %mul3A_11 = arith.muli %arg1, %mul3A : i32
    %add3A = vector.broadcast %mul3A_11 : i32 to vector<128x16000xi32>
    %add3A_12 = arith.addi %iota3A, %add3A : vector<128x16000xi32>
    %ne3A_13 = arith.constant 0 : i32
    %ne3A_14 = vector.broadcast %ne3A_13 : i32 to vector<128x16000xi32>
    %ne3A_15 = arith.cmpi ne, %add3A_12, %ne3A_14 : vector<128x16000xi32>
    %and3A_16 = vector.broadcast %ne3A_10 : vector<128x1xi1> to vector<128x16000xi1>
    %and3A_17 = arith.andi %and3A_16, %ne3A_15 : vector<128x16000xi1>
    %jit3A = arith.constant 3.12519524E-6 : f32
    %jit3A_18 = arith.constant 0.000000e+00 : f32
    %broadcast_in_dim3A = vector.broadcast %jit3A : f32 to vector<128x16000xf32>
    %broadcast_in_dim3A_19 = vector.broadcast %jit3A_18 : f32 to vector<128x16000xf32>
    %select_n3A = arith.select %and3A_17, %broadcast_in_dim3A, %broadcast_in_dim3A_19 : vector<128x16000xi1>, vector<128x16000xf32>
    %eq3A_20 = vector.broadcast %get3A_8 : vector<128x1xi32> to vector<128x16000xi32>
    %eq3A_21 = arith.cmpi eq, %add3A_12, %eq3A_20 : vector<128x16000xi32>
    %and3A_22 = vector.broadcast %ne3A_10 : vector<128x1xi1> to vector<128x16000xi1>
    %and3A_23 = arith.andi %and3A_22, %eq3A_21 : vector<128x16000xi1>
    %jit3A_24 = arith.constant 0.899999976 : f32
    %broadcast_in_dim3A_25 = vector.broadcast %jit3A_24 : f32 to vector<128x16000xf32>
    %select_n3A_26 = arith.select %and3A_23, %broadcast_in_dim3A_25, %select_n3A : vector<128x16000xi1>, vector<128x16000xf32>
    %get3A_27 = arith.constant 0 : index
    %get3A_28 = arith.constant 0 : index
    %get3A_29 = memref.load %arg4[%get3A_27, %get3A_28] : memref<1x1xf32, #tpu.memory_space<smem>>
    %mul3A_30 = arith.mulf %select_n3A_26, %get3A_5 : vector<128x16000xf32>
    %reduce_sum3A = vector.shape_cast %mul3A_30 : vector<128x16000xf32> to vector<1x128x16000xf32>
    %reduce_sum3A_31 = arith.constant dense<0.000000e+00> : vector<1xf32>
    %reduce_sum3A_32 = vector.multi_reduction <add>, %reduce_sum3A, %reduce_sum3A_31 [1, 2] : vector<1x128x16000xf32> to vector<1xf32>
    %reduce_sum3A_33 = vector.shape_cast %reduce_sum3A_32 : vector<1xf32> to vector<1x1x1xf32>
    %reduce_sum3A_34 = vector.extract %reduce_sum3A_33[0, 0, 0] : f32 from vector<1x1x1xf32>
    %add3A_35 = arith.addf %get3A_29, %reduce_sum3A_34 : f32
    %swap3A = arith.constant 0 : index
    %swap3A_36 = arith.constant 0 : index
    %swap3A_37 = memref.load %arg4[%swap3A, %swap3A_36] : memref<1x1xf32, #tpu.memory_space<smem>>
    memref.store %add3A_35, %arg4[%swap3A, %swap3A_36] : memref<1x1xf32, #tpu.memory_space<smem>>
    return
  }
  func.func @transform_0(%arg0: i32, %arg1: i32) -> (i32, i32) {
    %c0_i32 = arith.constant 0 : i32
    return %arg0, %arg1 : i32, i32
  }
  func.func @transform_1(%arg0: i32, %arg1: i32) -> (i32, i32) {
    %c0_i32 = arith.constant 0 : i32
    %c0_i32_0 = arith.constant 0 : i32
    return %arg0, %c0_i32 : i32, i32
  }
  func.func @transform_2(%arg0: i32, %arg1: i32) -> (i32, i32) {
    %c0_i32 = arith.constant 0 : i32
    %c0_i32_0 = arith.constant 0 : i32
    %c0_i32_1 = arith.constant 0 : i32
    return %c0_i32, %c0_i32_0 : i32, i32
  }
}

</mosaic_0001>

<sc_bundles>
// kernel: kernel.4.cloned.1.call-start
scs
__scs_entry_jumppad:
0x0: {  	(pc) =	sbr.rel $0x88, $3  }
0x1: {  	(tag) =	ssettag $0x0;
	lr =	simm.s32 $0x1  }
0x2: {  	[smem:$0x3F9F] =	sst lr;
	_ =	strace $0xD0000000  }
0x3: {  	_ = 	snop  }
0x4: {  	_ = 	snop  }
0x5: {  	_ = 	snop  }
0x6: {  	_ = 	snop  }
0x7: {  	_ = 	snop  }
__scs_overlays_trampoline_lowered:
0x8: {  	[smem:$0x3FAE] =	sst s0  }
0x9: {  	[smem:$0x3FAF] =	sst s1  }
0xa: {  	[smem:$0x3FB0] =	sst s2  }
0xb: {  	[smem:$0x3FB1] =	sst s3  }
0xc: {  	[smem:$0x3FB2] =	sst s4  }
0xd: {  	[smem:$0x3FB3] =	sst s5  }
0xe: {  	[smem:$0x3FB4] =	sst s6  }
0xf: {  	[smem:$0x3FB5] =	sst s7  }
0x10: {  	[smem:$0x3FB6] =	sst s8  }
0x11: {  	[smem:$0x3FB7] =	sst s9;
	s0 =	simm.s32 @!p0 $0x0  }
0x12: {  	s1 =	sld [smem:$0x3F9D];
	s0 =	simm.s32 @p0 $0x1  }
0x13: {  	[smem:$0x3FB8] =	sst s0;
	s0 =	simm.s32 @!p1 $0x0  }
0x14: {  	s2 =	sld [smem:$0x3F9C];
	s0 =	simm.s32 @p1 $0x1  }
0x15: {  	[smem:$0x3FB9] =	sst s0;
	s0 =	simm.s32 @!p2 $0x0  }
0x16: {  	s3 =	sld [smem:$0x3FDB];
	s0 =	simm.s32 @p2 $0x1  }
0x17: {  	s4 =	simm.s32 $0x1BF5;
	[smem:$0x3FBB] =	sst s0  }
0x18: {  	s0 =	sld [smem:$0x3F9E];
	_ =	swait.ge [sflag:s4], $0x0  }
0x19: {  	s7 =	sld [smem:$0x3F9F]  }
0x1a: {  	s8 =	sadd.s32 $0xFFFFE003, lr  }
0x1b: {  	s9 =	sadd.s32 $0xFFFFFEF7, lr;
	s5 =	simm.s32 $0xFFFFFFFF;
	p2 =	slt.u32 s8, $0xFFFFF086  }
0x1c: {  	p1 =	slt.u32 s9, $0xF7A;
	s5 =	simm.s32 @!p2 $0x0  }
0x1d: {  	s5 =	simm.s32 @p1 $0x1;
	p0 =	seq.s32 s7, s2  }
0x1e: {  	s7 =	smul.u32 @!p0 $0xF7A, s2;
	p2 =	seq.s32 @!p0 s5, $0x0  }
0x1f: {  	s9 =	smul.u32 $0xF7A, s1;
	s8 =	simm.s32 @!p0 $0x1BF5;
	p2 =	por !p2, p0  }
0x20: {  	[sflag:s8] =	ssyncset.s32 @!p0 $0xFFFFF086;
	s6 =	sadd.s32 @!p0 s3, s7;
	s7 =	simm.s32 @!p0 $0x108  }
0x21: {  	s3 =	sadd.s32 s3, s9;
	s6 =	sadd.s32 @!p0 $0x88, s6;
	s7 =	simm.s32 @p2 $0x1082  }
0x22: {  	[simem:s7], [sflag:s8] =	dma.local @!p0 [hbm:s6], $0xF7A  }
0x23: {  	s9 =	sor.u32 $0xD0000000, s2;
	s6 =	simm.s32 $0x108;
	_ =	swait.ge @!p0 [sflag:s8], $0x0  }
0x24: {  	s3 =	sadd.s32 $0x88, s3;
	s6 =	simm.s32 @!p1 $0x1082;
	[sflag:s4] =	ssyncset.s32 $0xFFFFF086  }
0x25: {  	[simem:s6], [sflag:s4] =	dma.local [hbm:s3], $0xF7A  }
0x26: {  	[smem:$0x3F9F] =	sst s1;
	(tag) =	ssettag s2;
	_ =	strace s9  }
0x27: {  	s1 =	sld [smem:$0x3FAF]  }
0x28: {  	s2 =	sld [smem:$0x3FB0]  }
0x29: {  	s4 =	sld [smem:$0x3FB2]  }
0x2a: {  	p0 =	seq.s32 s5, $0x0;
	s5 =	sld [smem:$0x3FB3]  }
0x2b: {  	s6 =	sld [smem:$0x3FB4]  }
0x2c: {  	s7 =	sld [smem:$0x3FB5]  }
0x2d: {  	s3 =	simm.s32 $0x108;
	s8 =	sld [smem:$0x3FB6]  }
0x2e: {  	s3 =	simm.s32 @!p0 $0x1082;
	s9 =	sld [smem:$0x3FB7]  }
0x2f: {  	lr =	sadd.s32 s0, s3;
	s0 =	sld [smem:$0x3FAE]  }
0x30: {  	s3 =	sld [smem:$0x3FB1]  }
0x31: {  	[smem:$0x3FBA] =	sst s10  }
0x32: {  	s10 =	sld [smem:$0x3FB8];
	_ =	sdelay $0x3  }
0x33: {  	p0 =	seq.s32 s10, $0x1;
	s10 =	sld [smem:$0x3FBA];
	_ =	sdelay $0x3  }
0x34: {  	[smem:$0x3FBA] =	sst s10  }
0x35: {  	s10 =	sld [smem:$0x3FB9];
	_ =	sdelay $0x3  }
0x36: {  	p1 =	seq.s32 s10, $0x1;
	s10 =	sld [smem:$0x3FBA];
	_ =	sdelay $0x3  }
0x37: {  	[smem:$0x3FBA] =	sst s10  }
0x38: {  	s10 =	sld [smem:$0x3FBB]  }
0x39: {  	_ = 	snop;
	(pc) =	sbr.ind lr, $3  }
0x3a: {  	_ = 	snop  }
0x3b: {  	_ = 	snop  }
0x3c: {  	p2 =	seq.s32 s10, $0x1;
	s10 =	sld [smem:$0x3FBA]  }
0x3d: {  	_ =	shalt  }
0x3e: {  	_ =	shalt  }
0x3f: {  	_ =	shalt  }
0x40: {  	_ =	shalt  }
0x41: {  	_ =	shalt  }
0x42: {  	_ =	shalt  }
0x43: {  	_ =	shalt  }
0x44: {  	_ =	shalt  }
0x45: {  	_ =	shalt  }
0x46: {  	_ =	shalt  }
0x47: {  	_ =	shalt  }
0x48: {  	_ =	shalt  }
0x49: {  	_ =	shalt  }
0x4a: {  	_ =	shalt  }
0x4b: {  	_ =	shalt  }
0x4c: {  	_ =	shalt  }
0x4d: {  	_ =	shalt  }
0x4e: {  	_ =	shalt  }
0x4f: {  	_ =	shalt  }
0x50: {  	_ =	shalt  }
0x51: {  	_ =	shalt  }
0x52: {  	_ =	shalt  }
0x53: {  	_ =	shalt  }
0x54: {  	_ =	shalt  }
0x55: {  	_ =	shalt  }
0x56: {  	_ =	shalt  }
0x57: {  	_ =	shalt  }
0x58: {  	_ =	shalt  }
0x59: {  	_ =	shalt  }
0x5a: {  	_ =	shalt  }
0x5b: {  	_ =	shalt  }
0x5c: {  	_ =	shalt  }
0x5d: {  	_ =	shalt  }
0x5e: {  	_ =	shalt  }
0x5f: {  	_ =	shalt  }
0x60: {  	_ =	shalt  }
0x61: {  	_ =	shalt  }
0x62: {  	_ =	shalt  }
0x63: {  	_ =	shalt  }
0x64: {  	_ =	shalt  }
0x65: {  	_ =	shalt  }
0x66: {  	_ =	shalt  }
0x67: {  	_ =	shalt  }
0x68: {  	_ =	shalt  }
0x69: {  	_ =	shalt  }
0x6a: {  	_ =	shalt  }
0x6b: {  	_ =	shalt  }
0x6c: {  	_ =	shalt  }
0x6d: {  	_ =	shalt  }
0x6e: {  	_ =	shalt  }
0x6f: {  	_ =	shalt  }
0x70: {  	_ =	shalt  }
0x71: {  	_ =	shalt  }
0x72: {  	_ =	shalt  }
0x73: {  	_ =	shalt  }
0x74: {  	_ =	shalt  }
0x75: {  	_ =	shalt  }
0x76: {  	_ =	shalt  }
0x77: {  	_ =	shalt  }
0x78: {  	_ =	shalt  }
0x79: {  	_ =	shalt  }
0x7a: {  	_ =	shalt  }
0x7b: {  	_ =	shalt  }
0x7c: {  	_ =	shalt  }
0x7d: {  	_ =	shalt  }
0x7e: {  	_ =	shalt  }
0x7f: {  	_ =	shalt  }
0x80: {  	_ =	shalt  }
0x81: {  	_ =	shalt  }
0x82: {  	_ =	shalt  }
0x83: {  	_ =	shalt  }
0x84: {  	_ =	shalt  }
0x85: {  	_ =	shalt  }
0x86: {  	_ =	shalt  }
0x87: {  	_ =	shalt  }
.Lfunc_end0:
.L_simem_size_0:
called_computation_lowered:
.L_overlay_start_0:
0x88: {  	s2 =	sld [smem:$0x3FD9]  }
0x89: {  	s3 =	sld [smem:$0x3FFE];
	_ =	sdelay $0x1  }
0x8a: {  	s1 =	srdreg.scid  }
0x8b: {  	s0 =	sand.u32 $0x1, s1  }
0x8c: {  	s17 =	sshll.u32 s0, $0xA;
	s2 =	sadd.s32 s3, s2  }
0x8d: {  	s2 =	sadd.s32 s2, s17  }
0x8e: {  	[smem:$0x3FC6] =	sst s2  }
0x8f: {  	_ = 	snop  }
0x90: {  	s2 =	sld [smem:$0x3FC8];
	(tm) =	ssettm $0x1  }
0x91: {  	s18 =	sld [smem:$0x3FFB];
	_ =	sdelay $0x3  }
0x92: {  	_ =	strace s18  }
0x93: {  	s3 =	sld [smem:$0x3FFC];
	_ =	sdelay $0x3  }
0x94: {  	_ =	strace s3  }
0x95: {  	s3 =	sld [smem:$0x3FFD];
	_ =	sdelay $0x3  }
0x96: {  	_ =	strace s3  }
0x97: {  	_ =	strace $0x8FFFFFFF  }
0x98: {  	s19 =	sld [smem:$0x3FDB];
	_ =	sdelay $0x1  }
0x99: {  	s4 =	simm.s32 $_scs_section_size  }
0x9a: {  	s5 =	simm.s32 $_size__tile_overlayer_lowered;
	s6 =	simm.s32 $_tile_overlayer_lowered  }
0x9b: {  	s22 =	simm.s32 $0x1BFF;
	s21 =	sshll.u32 s6, $0x1;
	s3 =	sadd.s32 s4, s19  }
0x9c: {  	s7 =	simm.s32 $0x0;
	s20 =	sshll.u32 s5, $0x1;
	s5 =	sadd.s32 s21, s3  }
0x9d: {  	[timem:s7], [sflag:s22] =	dma.local [hbm:s5], s20  }
0x9e: {  	_ =	swait.ge [sflag:s22], s20  }
0x9f: {  	s4 =	ssub.s32 $0x0, s20;
	[sflag:s22] =	ssyncset.done $0x0  }
0xa0: {  	[sflag:s22] =	ssyncadd.s32 s4;
	_ =	sdelay $0x1  }
0xa1: {  	s23 =	simm.s32 $0x1B8B  }
0xa2: {  	_ =	swait.ge [sflag:s23], $0x1  }
0xa3: {  	[sflag:s23] =	ssyncset.done $0x0  }
0xa4: {  	s25 =	simm.s32 $0x1B8E;
	s24 =	sld [smem:$0x3FFE];
	[sflag:s23] =	ssyncadd.s32 $0xFFFFFFFF  }
0xa5: {  	s26 =	simm.s32 $execute0_lowered;
	[smem:$0x3FD2] =	sst s25  }
0xa6: {  	s5 =	sshll.u32 s26, $0x1;
	_ =	strace $0x80000046;
	[dreg:$0x1] =	wrdreg $0xFFFFFFFF  }
0xa7: {  	s28 =	simm.s32 $_size_execute0_lowered;
	s3 =	sadd.s32 s3, s5;
	[dreg:$0x0] =	wrdreg $0x0  }
0xa8: {  	s5 =	sshll.u32 s28, $0x1;
	[dreg:$0x2] =	wrdreg s3  }
0xa9: {  	[dreg:$0x3] =	wrdreg s5  }
0xaa: {  	[dreg:$0x4] =	wrdreg $0xC0  }
0xab: {  	_ =	task [dreg:s7], $0x5FFFF  }
0xac: {  	[dreg:$0x1] =	wrdreg $0xFFFFFFFF  }
0xad: {  	[dreg:$0x0] =	wrdreg $0x60  }
0xae: {  	[dreg:$0x2] =	wrdreg s2  }
0xaf: {  	[dreg:$0x3] =	wrdreg s24  }
0xb0: {  	[dreg:$0x4] =	wrdreg $0x9  }
0xb1: {  	_ =	task.clear_ibuf [dreg:s7], $0x5FFFF;
	_ =	strace $0x90000046  }
0xb2: {  	s29 =	simm.s32 $0x9;
	_ =	strace $0x80000048  }
0xb3: {  	_ =	swait.ge [sflag:s29], $0x1  }
0xb4: {  	[sflag:s29] =	ssyncadd.s32 $0xFFFFFFFF  }
0xb5: {  	_ =	strace $0x90000048  }
0xb6: {  	_ =	sfence  }
0xb7: {  	s30 =	sld [smem:$0x0];
	_ =	sdelay $0x2  }
0xb8: {  	s31 =	sshll.u32 s1, $0xD;
	s1 =	sshrl.u32 s1, $0x2  }
0xb9: {  	s3 =	sand.u32 $0x4000, s31;
	s1 =	sadd.s32 s1, s30  }
0xba: {  	s0 =	sor.u32 s3, s0;
	s1 =	sshll.u32 s1, $0x11  }
0xbb: {  	s0 =	sor.u32 s1, s0  }
0xbc: {  	s0 =	sadd.s32 $0x8F2B, s0  }
0xbd: {  	[sflag:s0] =	ssyncadd.remote.s32 $0x1  }
0xbe: {  	_ =	sfence.sel $0xFFFF  }
0xbf: {  	[dreg:$0x0] =	wrdreg $0xFFFFFFFF;
	(pc) =	sbr.abs _section_cstart, $3  }
0xc0: {  	[dreg:$0x1] =	wrdreg $0xFFFFFFFF  }
0xc1: {  	_ =	task.clear_ibuf [dreg:s7], $0x2FFFF;
	_ =	strace $0x9FFFFFFF  }
0xc2: {  	(tm) =	ssettm $0x7FFFFFFF  }
0xc3: {  	_ =	shalt  }
tec
execute0_lowered:
.L_overlay_start_1:
0x0: {  	(tag) =	ssettag $0x1  }
0x1: {  	s3 =	rddreg [dreg:$0x0]  }
0x2: {  	s5 =	rddreg [dreg:$0x1];
	s2 =	srdreg.scid  }
0x3: {  	s0 =	rddreg [dreg:$0x2];
	s1 =	stileid.u32;
	s6 =	sand.u32 $0x1, s2  }
0x4: {  	s2 =	simm.s32 $0x0;
	s4 =	sshll.u32 s1, $0x5;
	s7 =	sshll.u32 s6, $0x4  }
0x5: {  	[smem:$0x7FF] =	sst s2;
	s7 =	sor.u32 s7, s4  }
0x6: {  	_ =	strace $0x80000047;
	s4 =	sadd.s32 s3, s7;
	s3 =	simm.s32 $0x1  }
0x7: {  	[tilespmem:s2], [sflag:$0x1] =	stream.linear.gather [hbm4b:s4+s2], $0x80, $0x38;
	[tilespmem:$0x100] =	vst v63  }
0x8: {  	_ =	swait.ge [sflag:s3], $0x80  }
0x9: {  	[sflag:s3] =	ssyncset.done $0x0  }
0xa: {  	[sflag:s3] =	ssyncadd.s32 $0xFFFFFF80  }
0xb: {  	v1 =	vld [tilespmem:$0x0]  }
0xc: {  	v2 =	vld [tilespmem:$0x10];
	_ =	sdelay $0x1  }
0xd: {  	v3 =	vld [tilespmem:$0x20];
	_ =	sdelay $0x1  }
0xe: {  	v4 =	vld [tilespmem:$0x30]  }
0xf: {  	v0 =	vimm.f32 $1.000000000e+00;
	vm0 =	veq.s32 v1, $0x0;
	vm1 =	veq.s32 v2, $0x0  }
0x10: {  	v1 =	vld [tilespmem:$0x40];
	v2 =	vsel vm0, $0x0, v0;
	v5 =	vsel vm1, $0x0, v0  }
0x11: {  	vm10 =	veq.s32 v3, $0x0;
	v2 =	vadd.f32 v5, v2  }
0x12: {  	v3 =	vld [tilespmem:$0x50];
	v60 =	vsel vm10, $0x0, v0  }
0x13: {  	vm11 =	veq.s32 v4, $0x0;
	v2 =	vadd.f32 v60, v2  }
0x14: {  	v61 =	vld [tilespmem:$0x60];
	v62 =	vsel vm11, $0x0, v0  }
0x15: {  	vm12 =	veq.s32 v1, $0x0;
	v1 =	vadd.f32 v62, v2  }
0x16: {  	v2 =	vld [tilespmem:$0x70];
	v63 =	vsel vm12, $0x0, v0  }
0x17: {  	vm13 =	veq.s32 v3, $0x0;
	v1 =	vadd.f32 v63, v1  }
0x18: {  	s6 =	ssub.s32 $0x2, s6;
	v3 =	vsel vm13, $0x0, v0  }
0x19: {  	s8 =	sshrl.u32 s6, $0x1;
	vm14 =	veq.s32 v61, $0x0;
	v1 =	vadd.f32 v3, v1  }
0x1a: {  	s6 =	ssub.s32 s6, s8;
	v3 =	vsel vm14, $0x0, v0  }
0x1b: {  	s31 =	smax.u32 s6, $0x1;
	vm15 =	veq.s32 v2, $0x0;
	v1 =	vadd.f32 v3, v1  }
0x1c: {  	p0 =	sne.s32 s31, $0x1;
	v2 =	vsel vm15, $0x0, v0  }
.Ltmp0:
0x1d: {  	v1 =	vadd.f32 v2, v1;
	(pc) =	sbr.rel @!p0 .LBB2_2-.Ltmp0, $4  }
0x1e: {  	_ = 	snop  }
0x1f: {  	s5 =	sadd.s32 s5, s7;
	s6 =	simm.s32 $0x80;
	[tilespmem:$0x80] =	vst v1  }
0x20: {  	[hbm4b:s5+s2] =	stream.linear.scatter [tilespmem:s6], [sflag:$0x1], $0x80, $0x38;
	[tilespmem:$0x100] =	vst v63  }
0x21: {  	s7 =	sadd.s32 $0xFFFFFFFF, s31;
	_ =	swait.ge [sflag:s3], $0x80  }
.LBB2_1:
0x22: {  	p0 =	sne.s32 s7, $0x1;
	s7 =	sadd.s32 $0xFFFFFFFF, s7;
	[sflag:s3] =	ssyncset.done $0x0  }
0x23: {  	[sflag:s3] =	ssyncadd.s32 $0xFFFFFF80  }
0x24: {  	[tilespmem:s2], [sflag:$0x1] =	stream.linear.gather [hbm4b:s4+s2], $0x80, $0x38;
	[tilespmem:$0x100] =	vst v63  }
0x25: {  	_ =	swait.ge [sflag:s3], $0x80  }
0x26: {  	[sflag:s3] =	ssyncset.done $0x0  }
0x27: {  	[sflag:s3] =	ssyncadd.s32 $0xFFFFFF80  }
0x28: {  	v1 =	vld [tilespmem:$0x0]  }
0x29: {  	v2 =	vld [tilespmem:$0x10]  }
0x2a: {  	v3 =	vld [tilespmem:$0x20]  }
0x2b: {  	v4 =	vld [tilespmem:$0x30]  }
0x2c: {  	v5 =	vld [tilespmem:$0x40]  }
0x2d: {  	vm0 =	veq.s32 v1, $0x0;
	v1 =	vld [tilespmem:$0x50]  }
0x2e: {  	v6 =	vsel vm0, $0x0, v0;
	vm0 =	veq.s32 v2, $0x0;
	v2 =	vld [tilespmem:$0x60]  }
0x2f: {  	v7 =	vsel vm0, $0x0, v0;
	vm0 =	veq.s32 v3, $0x0;
	v3 =	vld [tilespmem:$0x70]  }
0x30: {  	v6 =	vadd.f32 v7, v6;
	v7 =	vsel vm0, $0x0, v0;
	vm0 =	veq.s32 v4, $0x0  }
0x31: {  	vm1 =	veq.s32 v5, $0x0  }
0x32: {  	v5 =	vsel vm0, $0x0, v0;
	v4 =	vadd.f32 v7, v6;
	vm0 =	veq.s32 v1, $0x0  }
0x33: {  	vm2 =	veq.s32 v2, $0x0  }
0x34: {  	v2 =	vsel vm1, $0x0, v0;
	v1 =	vadd.f32 v5, v4;
	vm1 =	veq.s32 v3, $0x0;
	_ =	sdelay $0x1  }
0x35: {  	v1 =	vadd.f32 v2, v1;
	v2 =	vsel vm0, $0x0, v0;
	_ =	sdelay $0x1  }
0x36: {  	v1 =	vadd.f32 v2, v1;
	v2 =	vsel vm2, $0x0, v0;
	_ =	sdelay $0x1  }
0x37: {  	v1 =	vadd.f32 v2, v1;
	v2 =	vsel vm1, $0x0, v0;
	_ =	sdelay $0x1  }
.Ltmp1:
0x38: {  	v1 =	vadd.f32 v2, v1;
	(pc) =	sbr.rel @p0 .LBB2_1-.Ltmp1, $4  }
0x39: {  	_ = 	snop  }
0x3a: {  	[tilespmem:$0x80] =	vst v1  }
0x3b: {  	[hbm4b:s5+s2] =	stream.linear.scatter [tilespmem:s6], [sflag:$0x1], $0x80, $0x38;
	[tilespmem:$0x100] =	vst v63  }
0x3c: {  	_ =	swait.ge [sflag:s3], $0x80  }
.LBB2_2:
0x3d: {  	[sflag:s3] =	ssyncset.done $0x0  }
0x3e: {  	[sflag:s3] =	ssyncadd.s32 $0xFFFFFF80  }
0x3f: {  	_ =	sfence.sel $0x180000  }
0x40: {  	[bflag:$0x0] =	sbarrier.arrive $0xFFFF  }
0x41: {  	p0 =	sne.s32 s1, $0x0;
	_ =	strace $0x90000047  }
0x42: {  	s0 =	sadd.s32 @!p0 $0x100000, s0;
	[bflag:$0x2] =	sbarrier.arrive $0xFFFF  }
0x43: {  	[sflag:s0] =	ssyncadd.tile.s32 @!p0 $0x1;
	_ =	shalt  }
.Lfunc_end2:
_tile_overlayer_lowered:
.L_overlay_start_2:
0x44: {  	(tag) =	ssettag $0x2  }
0x45: {  	s0 =	rddreg [dreg:$0x0];
	s2 =	stileid.u32  }
0x46: {  	s1 =	rddreg [dreg:$0x1];
	p0 =	sne.s32 s2, $0x0  }
0x47: {  	s3 =	rddreg [dreg:$0x2];
	[bflag:$0x3] =	sbarrier.arrive $0xFFFF;
	s2 =	simm.s32 @!p0 $0x1C01  }
0x48: {  	[timem:s3], [sflag:s2] =	dma.local @!p0 [hbm:s0], s1  }
0x49: {  	s0 =	simm.s32 @!p0 $0x1  }
0x4a: {  	_ =	swait.ge @!p0 [sflag:s0], s1  }
0x4b: {  	s1 =	ssub.s32 @!p0 $0x0, s1;
	[sflag:s0] =	ssyncset.done @!p0 $0x0  }
0x4c: {  	[sflag:s0] =	ssyncadd.s32 @!p0 s1  }
0x4d: {  	[bflag:$0x3] =	sbarrier.arrive $0xFFFF  }
0x4e: {  	_ =	shalt  }

</sc_bundles>
